<compile_context>
chip_gen: v7x
topology: tpu7x:2x2x1
jax: 0.10.2.dev20260603
libtpu: 0.0.44.dev20260713+nightly
codegen_flags: <defaults>
</compile_context>

<pallas_src>
import functools

import jax
import jax.numpy as jnp
from jax import lax
from jax.experimental import pallas as pl
from jax.experimental.pallas import tpu as pltpu
from jax.experimental.pallas import tpu_sc as plsc

K_NEURONS = 10000
FEAT = 784
BATCH = 4096

BB = 1024
BK = 2000
NB = BATCH // BB
NK = K_NEURONS // BK

BIG = 3.0e38

FEAT_PAD = 896

SC_NC = 2
SC_NS = 16
SC_NW = SC_NC * SC_NS
ROWS_PER_W = BATCH // SC_NW


def _dist_argmin_body(x_ref, w_ref, idx_ref, wsq_ref):
    i = pl.program_id(0)
    x = x_ref[...]
    x2 = x * -2.0
    xsq = jnp.sum(x * x, axis=1, keepdims=True)

    @pl.when(i == 0)
    def _wsq():
        w = w_ref[...]
        wsq_ref[...] = jnp.sum(w * w, axis=1, keepdims=True).reshape(1, K_NEURONS)

    best = jnp.full((BB, 1), BIG, jnp.float32)
    bidx = jnp.zeros((BB, 1), jnp.int32)
    for j in range(NK):
        wblk = w_ref[pl.ds(j * BK, BK), :]
        cross2 = lax.dot_general(x2, wblk, (((1,), (1,)), ((), ())),
                                 preferred_element_type=jnp.float32)
        dist = (xsq + cross2) + wsq_ref[:, pl.ds(j * BK, BK)]
        m = jnp.min(dist, axis=1, keepdims=True)
        am = jnp.argmin(dist, axis=1).astype(jnp.int32)[:, None] + j * BK
        upd = m < best
        best = jnp.where(upd, m, best)
        bidx = jnp.where(upd, am, bidx)
    idx_ref[...] = bidx.reshape(BB)


def _bmu_indices(x, weights):
    return pl.pallas_call(
        _dist_argmin_body,
        grid=(NB,),
        in_specs=[
            pl.BlockSpec((BB, FEAT), lambda i: (i, 0)),
            pl.BlockSpec((K_NEURONS, FEAT), lambda i: (0, 0)),
        ],
        out_specs=pl.BlockSpec((BB,), lambda i: (i,)),
        out_shape=jax.ShapeDtypeStruct((BATCH,), jnp.int32),
        scratch_shapes=[
            pltpu.VMEM((1, K_NEURONS), jnp.float32),
        ],
        compiler_params=pltpu.CompilerParams(
            dimension_semantics=("arbitrary",),
            vmem_limit_bytes=100 * 1024 * 1024),
    )(x, weights)


def _gather_body(table_hbm, idx_hbm, out_hbm, idx_v, rows_v, sem):
    wid = lax.axis_index("s") * SC_NC + lax.axis_index("c")
    base = wid * ROWS_PER_W
    pltpu.sync_copy(idx_hbm.at[pl.ds(base, ROWS_PER_W)], idx_v)
    pltpu.async_copy(table_hbm.at[idx_v], rows_v, sem).wait()
    pltpu.sync_copy(rows_v, out_hbm.at[pl.ds(base, ROWS_PER_W)])


def _gather_rows(table, idx):
    mesh = plsc.VectorSubcoreMesh(core_axis_name="c", subcore_axis_name="s")
    return pl.kernel(
        _gather_body,
        out_type=jax.ShapeDtypeStruct((BATCH, FEAT_PAD), jnp.float32),
        mesh=mesh,
        scratch_types=[
            pltpu.VMEM((ROWS_PER_W,), jnp.int32),
            pltpu.VMEM((ROWS_PER_W, FEAT_PAD), jnp.float32),
            pltpu.SemaphoreType.DMA,
        ],
    )(table, idx)


def kernel(inputs, weights):
    x = inputs.reshape(-1, FEAT)
    idx = _bmu_indices(x, weights)
    table = jnp.pad(weights, ((0, 0), (0, FEAT_PAD - FEAT)))
    return _gather_rows(table, idx)[:, :FEAT]

# --- scband reference (transcript-rebuilt; emitter-appended) ---
"""Pipeline reference for scband-som-61753039782108 (READ-ONLY COPY).

The authoritative reference and input builder live on the scoring server;
editing this copy changes nothing except your own understanding.
"""

import jax, jax.numpy as jnp
import numpy as np

NUM_NEURONS = 10000
FEAT = 784
BATCH = 4096


def setup_inputs(seed: int = 0) -> dict:
    key = jax.random.key(seed)
    k1, k2 = jax.random.split(key)
    inputs = jax.random.normal(k1, (BATCH, FEAT), dtype=jnp.float32)
    weights = jax.random.normal(k2, (NUM_NEURONS, FEAT), dtype=jnp.float32)
    return {"inputs": inputs, "weights": weights}


def reference(inputs, weights):
    # Faithful to: inputs.reshape(-1,784)[:,None,:]; sum((x - W)**2, -1); argmin; gather.
    # Squared L2 distance is computed via the algebraically identical expansion
    # ||x||^2 - 2 x.W^T + ||W||^2 to avoid materializing the [B, K, 784] tensor.
    x = inputs.reshape(-1, FEAT)
    x_sq = jnp.sum(x * x, axis=-1, keepdims=True)            # [B, 1]
    w_sq = jnp.sum(weights * weights, axis=-1)[None, :]       # [1, K]
    cross = x @ weights.T                                     # [B, K]
    distances = x_sq - 2.0 * cross + w_sq                     # [B, K]
    bmu_indices = jnp.argmin(distances, axis=1)               # [B]
    bmu = jnp.take(weights, bmu_indices, axis=0)              # [B, 784]
    return bmu

if __name__ == "__main__":
    import jax
    _d = setup_inputs()
    print(jax.jit(kernel)(*tuple(_d.values())))

</pallas_src>

<mosaic_0001>
#map = affine_map<(d0, d1) -> (0, 0)>
#map1 = affine_map<(d0, d1) -> (0)>
module attributes {stable_mosaic.version = 14 : i64} {
  func.func @_gather_body(%arg0: i32, %arg1: i32, %arg2: memref<10000x896xf32, #tpu.memory_space<hbm>>, %arg3: memref<4096xi32, #tpu.memory_space<hbm>>, %arg4: memref<4096x896xf32, #tpu.memory_space<hbm>>, %arg5: memref<128xi32, #tpu.memory_space<vmem>>, %arg6: memref<128x896xf32, #tpu.memory_space<vmem>>, %arg7: memref<!tpu.dma_semaphore, #tpu.memory_space<semaphore_mem>>) attributes {dimension_semantics = [#tpu.dimension_semantics<core_parallel>, #tpu.dimension_semantics<subcore_parallel>], iteration_bounds = array<i64: 2, 16>, scalar_prefetch = 0 : i64, scratch_operands = 3 : i64, tpu.core_type = #tpu.core_type<sc_vector_subcore>, window_params = [{transform_indices = #map}, {transform_indices = #map1}, {transform_indices = #map}]} {
    %mul3A = arith.constant 2 : i32
    %mul3A_0 = arith.muli %arg1, %mul3A : i32
    %add3A = arith.addi %mul3A_0, %arg0 : i32
    %mul3A_1 = arith.constant 128 : i32
    %mul3A_2 = arith.muli %add3A, %mul3A_1 : i32
    "tpu.region"() ({
      %run_scoped3A = tpu.sem_alloc : memref<!tpu.dma_semaphore, #tpu.memory_space<semaphore_mem>>
      %dma_start3A_7 = tpu.memref_slice %arg3[%mul3A_2] : memref<4096xi32, #tpu.memory_space<hbm>> -> memref<128xi32, #tpu.memory_space<hbm>>
      %dma_start3A_8 = tpu.memref_slice %arg3[%mul3A_2] : memref<4096xi32, #tpu.memory_space<hbm>> -> memref<128xi32, #tpu.memory_space<hbm>>
      tpu.enqueue_dma source(%dma_start3A_8 : memref<128xi32, #tpu.memory_space<hbm>>) target(%arg5 : memref<128xi32, #tpu.memory_space<vmem>>) target_semaphore(%run_scoped3A : memref<!tpu.dma_semaphore, #tpu.memory_space<semaphore_mem>>)
      %dma_wait3A_9 = tpu.memref_slice %arg3[%mul3A_2] : memref<4096xi32, #tpu.memory_space<hbm>> -> memref<128xi32, #tpu.memory_space<hbm>>
      %dma_wait3A_10 = tpu.memref_slice %arg3[%mul3A_2] : memref<4096xi32, #tpu.memory_space<hbm>> -> memref<128xi32, #tpu.memory_space<hbm>>
      tpu.wait_dma2 semaphore(%run_scoped3A : memref<!tpu.dma_semaphore, #tpu.memory_space<semaphore_mem>>) src(%dma_wait3A_10 : memref<128xi32, #tpu.memory_space<hbm>>) dst(%arg5 : memref<128xi32, #tpu.memory_space<vmem>>)
      tpu.yield
    }) : () -> ()
    %dma_start3A = arith.constant 0 : i32
    %dma_start3A_3 = arith.constant 0 : i32
    %dma_start3A_4 = tpu.memref_slice %arg2[%dma_start3A, %dma_start3A_3] : memref<10000x896xf32, #tpu.memory_space<hbm>> -> memref<10000x896xf32, #tpu.memory_space<hbm>>
    tpu.enqueue_indirect_dma source(%dma_start3A_4 : memref<10000x896xf32, #tpu.memory_space<hbm>>) target(%arg6 : memref<128x896xf32, #tpu.memory_space<vmem>>) offsets(%arg5 : memref<128xi32, #tpu.memory_space<vmem>>) semaphore(%arg7 : memref<!tpu.dma_semaphore, #tpu.memory_space<semaphore_mem>>)
    %dma_wait3A = arith.constant 0 : i32
    %dma_wait3A_5 = arith.constant 0 : i32
    %dma_wait3A_6 = tpu.memref_slice %arg2[%dma_wait3A, %dma_wait3A_5] : memref<10000x896xf32, #tpu.memory_space<hbm>> -> memref<10000x896xf32, #tpu.memory_space<hbm>>
    tpu.wait_indirect_dma semaphore(%arg7 : memref<!tpu.dma_semaphore, #tpu.memory_space<semaphore_mem>>) src(%dma_wait3A_6 : memref<10000x896xf32, #tpu.memory_space<hbm>>) dst(%arg6 : memref<128x896xf32, #tpu.memory_space<vmem>>)
    "tpu.region"() ({
      %run_scoped3A = tpu.sem_alloc : memref<!tpu.dma_semaphore, #tpu.memory_space<semaphore_mem>>
      %dma_start3A_7 = arith.constant 0 : i32
      %dma_start3A_8 = tpu.memref_slice %arg4[%mul3A_2, %dma_start3A_7] : memref<4096x896xf32, #tpu.memory_space<hbm>> -> memref<128x896xf32, #tpu.memory_space<hbm>>
      %dma_start3A_9 = arith.constant 0 : i32
      %dma_start3A_10 = tpu.memref_slice %arg4[%mul3A_2, %dma_start3A_9] : memref<4096x896xf32, #tpu.memory_space<hbm>> -> memref<128x896xf32, #tpu.memory_space<hbm>>
      tpu.enqueue_dma source(%arg6 : memref<128x896xf32, #tpu.memory_space<vmem>>) target(%dma_start3A_10 : memref<128x896xf32, #tpu.memory_space<hbm>>) target_semaphore(%run_scoped3A : memref<!tpu.dma_semaphore, #tpu.memory_space<semaphore_mem>>)
      %dma_wait3A_11 = arith.constant 0 : i32
      %dma_wait3A_12 = tpu.memref_slice %arg4[%mul3A_2, %dma_wait3A_11] : memref<4096x896xf32, #tpu.memory_space<hbm>> -> memref<128x896xf32, #tpu.memory_space<hbm>>
      %dma_wait3A_13 = arith.constant 0 : i32
      %dma_wait3A_14 = tpu.memref_slice %arg4[%mul3A_2, %dma_wait3A_13] : memref<4096x896xf32, #tpu.memory_space<hbm>> -> memref<128x896xf32, #tpu.memory_space<hbm>>
      tpu.wait_dma2 semaphore(%run_scoped3A : memref<!tpu.dma_semaphore, #tpu.memory_space<semaphore_mem>>) src(%arg6 : memref<128x896xf32, #tpu.memory_space<vmem>>) dst(%dma_wait3A_14 : memref<128x896xf32, #tpu.memory_space<hbm>>)
      tpu.yield
    }) : () -> ()
    return
  }
}

module attributes {stable_mosaic.version = 14 : i64} {
  func.func @_dist_argmin_body(%arg0: i32, %arg1: memref<1024x784xf32, #tpu.memory_space<vmem>>, %arg2: memref<10000x784xf32, #tpu.memory_space<vmem>>, %arg3: memref<1024xi32, #tpu.memory_space<vmem>>, %arg4: memref<1x10000xf32, #tpu.memory_space<vmem>>) attributes {dimension_semantics = [#tpu.dimension_semantics<arbitrary>], iteration_bounds = array<i64: 4>, scalar_prefetch = 0 : i64, scratch_operands = 1 : i64, tpu.core_type = #tpu.core_type<tc>, window_params = [{transform_indices = @transform_0, window_bounds = array<i64: 1024, 784>}, {pipeline_mode = #tpu.pipeline_mode<synchronous>, transform_indices = @transform_1, window_bounds = array<i64: 10000, 784>}, {transform_indices = @transform_2, window_bounds = array<i64: 1024>}]} {
    %get3A = arith.constant 0 : index
    %get3A_0 = arith.constant 0 : index
    %get3A_1 = vector.load %arg1[%get3A, %get3A_0] : memref<1024x784xf32, #tpu.memory_space<vmem>>, vector<1024x784xf32>
    %mul3A = arith.constant -2.000000e+00 : f32
    %mul3A_2 = vector.broadcast %mul3A : f32 to vector<1024x784xf32>
    %mul3A_3 = arith.mulf %get3A_1, %mul3A_2 : vector<1024x784xf32>
    %mul3A_4 = arith.mulf %get3A_1, %get3A_1 : vector<1024x784xf32>
    %reduce_sum3A = arith.constant dense<0.000000e+00> : vector<1024xf32>
    %reduce_sum3A_5 = vector.multi_reduction <add>, %mul3A_4, %reduce_sum3A [1] : vector<1024x784xf32> to vector<1024xf32>
    %broadcast_in_dim3A = vector.shape_cast %reduce_sum3A_5 : vector<1024xf32> to vector<1024x1xf32>
    %eq3A = arith.constant 0 : i32
    %eq3A_6 = arith.cmpi eq, %arg0, %eq3A : i32
    %convert_element_type3A = arith.extui %eq3A_6 : i1 to i32
    %cond3A = arith.constant 0 : i32
    %cond3A_7 = arith.cmpi ne, %convert_element_type3A, %cond3A : i32
    scf.if %cond3A_7 {
      %get3A_121 = arith.constant 0 : index
      %get3A_122 = arith.constant 0 : index
      %get3A_123 = vector.load %arg2[%get3A_121, %get3A_122] : memref<10000x784xf32, #tpu.memory_space<vmem>>, vector<10000x784xf32>
      %mul3A_124 = arith.mulf %get3A_123, %get3A_123 : vector<10000x784xf32>
      %reduce_sum3A_125 = arith.constant dense<0.000000e+00> : vector<10000xf32>
      %reduce_sum3A_126 = vector.multi_reduction <add>, %mul3A_124, %reduce_sum3A_125 [1] : vector<10000x784xf32> to vector<10000xf32>
      %broadcast_in_dim3A_127 = vector.shape_cast %reduce_sum3A_126 : vector<10000xf32> to vector<10000x1xf32>
      %reshape3A_128 = vector.shape_cast %broadcast_in_dim3A_127 : vector<10000x1xf32> to vector<1x10000xf32>
      %swap3A_129 = arith.constant 0 : index
      %swap3A_130 = arith.constant 0 : index
      %swap3A_131 = vector.load %arg4[%swap3A_129, %swap3A_130] : memref<1x10000xf32, #tpu.memory_space<vmem>>, vector<1x10000xf32>
      tpu.vector_store %arg4[%swap3A_129, %swap3A_130], %reshape3A_128 {strides = array<i32>} : memref<1x10000xf32, #tpu.memory_space<vmem>>, vector<1x10000xf32>,
    } else {
    }
    %broadcast_in_dim3A_8 = arith.constant 3.000000e+38 : f32
    %broadcast_in_dim3A_9 = vector.broadcast %broadcast_in_dim3A_8 : f32 to vector<1024x1xf32>
    %broadcast_in_dim3A_10 = arith.constant 0 : i32
    %broadcast_in_dim3A_11 = vector.broadcast %broadcast_in_dim3A_10 : i32 to vector<1024x1xi32>
    %get3A_12 = arith.constant 0 : index
    %get3A_13 = arith.constant 0 : index
    %get3A_14 = vector.load %arg2[%get3A_12, %get3A_13] : memref<10000x784xf32, #tpu.memory_space<vmem>>, vector<2000x784xf32>
    %dot_general3A = arith.constant dense<0.000000e+00> : vector<1024x2000xf32>
    %dot_general3A_15 = tpu.matmul %mul3A_3, %get3A_14, %dot_general3A {dimension_numbers = #tpu.dot_dimension_numbers<[1], [1], [0], [0], [0, 0, 1, 0], [], []>, transpose_lhs_hint = false} : vector<1024x784xf32>, vector<2000x784xf32>, vector<1024x2000xf32> -> vector<1024x2000xf32>
    %add3A = vector.broadcast %broadcast_in_dim3A : vector<1024x1xf32> to vector<1024x2000xf32>
    %add3A_16 = arith.addf %add3A, %dot_general3A_15 : vector<1024x2000xf32>
    %get3A_17 = arith.constant 0 : index
    %get3A_18 = arith.constant 0 : index
    %get3A_19 = vector.load %arg4[%get3A_17, %get3A_18] : memref<1x10000xf32, #tpu.memory_space<vmem>>, vector<1x2000xf32>
    %add3A_20 = vector.broadcast %get3A_19 : vector<1x2000xf32> to vector<1024x2000xf32>
    %add3A_21 = arith.addf %add3A_16, %add3A_20 : vector<1024x2000xf32>
    %reduce_min3A = arith.constant dense<0x7F800000> : vector<1024xf32>
    %reduce_min3A_22 = vector.multi_reduction <minimumf>, %add3A_21, %reduce_min3A [1] : vector<1024x2000xf32> to vector<1024xf32>
    %broadcast_in_dim3A_23 = vector.shape_cast %reduce_min3A_22 : vector<1024xf32> to vector<1024x1xf32>
    %argmin3A = tpu.reduce_index %add3A_21 {axis = 1 : i32, kind = #tpu.reduction_kind<arg_min>} : vector<1024x2000xf32> -> vector<1024xi32>
    %broadcast_in_dim3A_24 = vector.shape_cast %argmin3A : vector<1024xi32> to vector<1024x1xi32>
    %add3A_25 = arith.constant 0 : i32
    %add3A_26 = vector.broadcast %add3A_25 : i32 to vector<1024x1xi32>
    %add3A_27 = arith.addi %broadcast_in_dim3A_24, %add3A_26 : vector<1024x1xi32>
    %lt3A = arith.cmpf olt, %broadcast_in_dim3A_23, %broadcast_in_dim3A_9 : vector<1024x1xf32>
    %select_n3A = arith.select %lt3A, %broadcast_in_dim3A_23, %broadcast_in_dim3A_9 : vector<1024x1xi1>, vector<1024x1xf32>
    %select_n3A_28 = arith.select %lt3A, %add3A_27, %broadcast_in_dim3A_11 : vector<1024x1xi1>, vector<1024x1xi32>
    %get3A_29 = arith.constant 2000 : index
    %get3A_30 = arith.constant 0 : index
    %get3A_31 = vector.load %arg2[%get3A_29, %get3A_30] : memref<10000x784xf32, #tpu.memory_space<vmem>>, vector<2000x784xf32>
    %dot_general3A_32 = arith.constant dense<0.000000e+00> : vector<1024x2000xf32>
    %dot_general3A_33 = tpu.matmul %mul3A_3, %get3A_31, %dot_general3A_32 {dimension_numbers = #tpu.dot_dimension_numbers<[1], [1], [0], [0], [0, 0, 1, 0], [], []>, transpose_lhs_hint = false} : vector<1024x784xf32>, vector<2000x784xf32>, vector<1024x2000xf32> -> vector<1024x2000xf32>
    %add3A_34 = vector.broadcast %broadcast_in_dim3A : vector<1024x1xf32> to vector<1024x2000xf32>
    %add3A_35 = arith.addf %add3A_34, %dot_general3A_33 : vector<1024x2000xf32>
    %get3A_36 = arith.constant 0 : index
    %get3A_37 = arith.constant 2000 : index
    %get3A_38 = vector.load %arg4[%get3A_36, %get3A_37] : memref<1x10000xf32, #tpu.memory_space<vmem>>, vector<1x2000xf32>
    %add3A_39 = vector.broadcast %get3A_38 : vector<1x2000xf32> to vector<1024x2000xf32>
    %add3A_40 = arith.addf %add3A_35, %add3A_39 : vector<1024x2000xf32>
    %reduce_min3A_41 = arith.constant dense<0x7F800000> : vector<1024xf32>
    %reduce_min3A_42 = vector.multi_reduction <minimumf>, %add3A_40, %reduce_min3A_41 [1] : vector<1024x2000xf32> to vector<1024xf32>
    %broadcast_in_dim3A_43 = vector.shape_cast %reduce_min3A_42 : vector<1024xf32> to vector<1024x1xf32>
    %argmin3A_44 = tpu.reduce_index %add3A_40 {axis = 1 : i32, kind = #tpu.reduction_kind<arg_min>} : vector<1024x2000xf32> -> vector<1024xi32>
    %broadcast_in_dim3A_45 = vector.shape_cast %argmin3A_44 : vector<1024xi32> to vector<1024x1xi32>
    %add3A_46 = arith.constant 2000 : i32
    %add3A_47 = vector.broadcast %add3A_46 : i32 to vector<1024x1xi32>
    %add3A_48 = arith.addi %broadcast_in_dim3A_45, %add3A_47 : vector<1024x1xi32>
    %lt3A_49 = arith.cmpf olt, %broadcast_in_dim3A_43, %select_n3A : vector<1024x1xf32>
    %select_n3A_50 = arith.select %lt3A_49, %broadcast_in_dim3A_43, %select_n3A : vector<1024x1xi1>, vector<1024x1xf32>
    %select_n3A_51 = arith.select %lt3A_49, %add3A_48, %select_n3A_28 : vector<1024x1xi1>, vector<1024x1xi32>
    %get3A_52 = arith.constant 4000 : index
    %get3A_53 = arith.constant 0 : index
    %get3A_54 = vector.load %arg2[%get3A_52, %get3A_53] : memref<10000x784xf32, #tpu.memory_space<vmem>>, vector<2000x784xf32>
    %dot_general3A_55 = arith.constant dense<0.000000e+00> : vector<1024x2000xf32>
    %dot_general3A_56 = tpu.matmul %mul3A_3, %get3A_54, %dot_general3A_55 {dimension_numbers = #tpu.dot_dimension_numbers<[1], [1], [0], [0], [0, 0, 1, 0], [], []>, transpose_lhs_hint = false} : vector<1024x784xf32>, vector<2000x784xf32>, vector<1024x2000xf32> -> vector<1024x2000xf32>
    %add3A_57 = vector.broadcast %broadcast_in_dim3A : vector<1024x1xf32> to vector<1024x2000xf32>
    %add3A_58 = arith.addf %add3A_57, %dot_general3A_56 : vector<1024x2000xf32>
    %get3A_59 = arith.constant 0 : index
    %get3A_60 = arith.constant 4000 : index
    %get3A_61 = vector.load %arg4[%get3A_59, %get3A_60] : memref<1x10000xf32, #tpu.memory_space<vmem>>, vector<1x2000xf32>
    %add3A_62 = vector.broadcast %get3A_61 : vector<1x2000xf32> to vector<1024x2000xf32>
    %add3A_63 = arith.addf %add3A_58, %add3A_62 : vector<1024x2000xf32>
    %reduce_min3A_64 = arith.constant dense<0x7F800000> : vector<1024xf32>
    %reduce_min3A_65 = vector.multi_reduction <minimumf>, %add3A_63, %reduce_min3A_64 [1] : vector<1024x2000xf32> to vector<1024xf32>
    %broadcast_in_dim3A_66 = vector.shape_cast %reduce_min3A_65 : vector<1024xf32> to vector<1024x1xf32>
    %argmin3A_67 = tpu.reduce_index %add3A_63 {axis = 1 : i32, kind = #tpu.reduction_kind<arg_min>} : vector<1024x2000xf32> -> vector<1024xi32>
    %broadcast_in_dim3A_68 = vector.shape_cast %argmin3A_67 : vector<1024xi32> to vector<1024x1xi32>
    %add3A_69 = arith.constant 4000 : i32
    %add3A_70 = vector.broadcast %add3A_69 : i32 to vector<1024x1xi32>
    %add3A_71 = arith.addi %broadcast_in_dim3A_68, %add3A_70 : vector<1024x1xi32>
    %lt3A_72 = arith.cmpf olt, %broadcast_in_dim3A_66, %select_n3A_50 : vector<1024x1xf32>
    %select_n3A_73 = arith.select %lt3A_72, %broadcast_in_dim3A_66, %select_n3A_50 : vector<1024x1xi1>, vector<1024x1xf32>
    %select_n3A_74 = arith.select %lt3A_72, %add3A_71, %select_n3A_51 : vector<1024x1xi1>, vector<1024x1xi32>
    %get3A_75 = arith.constant 6000 : index
    %get3A_76 = arith.constant 0 : index
    %get3A_77 = vector.load %arg2[%get3A_75, %get3A_76] : memref<10000x784xf32, #tpu.memory_space<vmem>>, vector<2000x784xf32>
    %dot_general3A_78 = arith.constant dense<0.000000e+00> : vector<1024x2000xf32>
    %dot_general3A_79 = tpu.matmul %mul3A_3, %get3A_77, %dot_general3A_78 {dimension_numbers = #tpu.dot_dimension_numbers<[1], [1], [0], [0], [0, 0, 1, 0], [], []>, transpose_lhs_hint = false} : vector<1024x784xf32>, vector<2000x784xf32>, vector<1024x2000xf32> -> vector<1024x2000xf32>
    %add3A_80 = vector.broadcast %broadcast_in_dim3A : vector<1024x1xf32> to vector<1024x2000xf32>
    %add3A_81 = arith.addf %add3A_80, %dot_general3A_79 : vector<1024x2000xf32>
    %get3A_82 = arith.constant 0 : index
    %get3A_83 = arith.constant 6000 : index
    %get3A_84 = vector.load %arg4[%get3A_82, %get3A_83] : memref<1x10000xf32, #tpu.memory_space<vmem>>, vector<1x2000xf32>
    %add3A_85 = vector.broadcast %get3A_84 : vector<1x2000xf32> to vector<1024x2000xf32>
    %add3A_86 = arith.addf %add3A_81, %add3A_85 : vector<1024x2000xf32>
    %reduce_min3A_87 = arith.constant dense<0x7F800000> : vector<1024xf32>
    %reduce_min3A_88 = vector.multi_reduction <minimumf>, %add3A_86, %reduce_min3A_87 [1] : vector<1024x2000xf32> to vector<1024xf32>
    %broadcast_in_dim3A_89 = vector.shape_cast %reduce_min3A_88 : vector<1024xf32> to vector<1024x1xf32>
    %argmin3A_90 = tpu.reduce_index %add3A_86 {axis = 1 : i32, kind = #tpu.reduction_kind<arg_min>} : vector<1024x2000xf32> -> vector<1024xi32>
    %broadcast_in_dim3A_91 = vector.shape_cast %argmin3A_90 : vector<1024xi32> to vector<1024x1xi32>
    %add3A_92 = arith.constant 6000 : i32
    %add3A_93 = vector.broadcast %add3A_92 : i32 to vector<1024x1xi32>
    %add3A_94 = arith.addi %broadcast_in_dim3A_91, %add3A_93 : vector<1024x1xi32>
    %lt3A_95 = arith.cmpf olt, %broadcast_in_dim3A_89, %select_n3A_73 : vector<1024x1xf32>
    %select_n3A_96 = arith.select %lt3A_95, %broadcast_in_dim3A_89, %select_n3A_73 : vector<1024x1xi1>, vector<1024x1xf32>
    %select_n3A_97 = arith.select %lt3A_95, %add3A_94, %select_n3A_74 : vector<1024x1xi1>, vector<1024x1xi32>
    %get3A_98 = arith.constant 8000 : index
    %get3A_99 = arith.constant 0 : index
    %get3A_100 = vector.load %arg2[%get3A_98, %get3A_99] : memref<10000x784xf32, #tpu.memory_space<vmem>>, vector<2000x784xf32>
    %dot_general3A_101 = arith.constant dense<0.000000e+00> : vector<1024x2000xf32>
    %dot_general3A_102 = tpu.matmul %mul3A_3, %get3A_100, %dot_general3A_101 {dimension_numbers = #tpu.dot_dimension_numbers<[1], [1], [0], [0], [0, 0, 1, 0], [], []>, transpose_lhs_hint = false} : vector<1024x784xf32>, vector<2000x784xf32>, vector<1024x2000xf32> -> vector<1024x2000xf32>
    %add3A_103 = vector.broadcast %broadcast_in_dim3A : vector<1024x1xf32> to vector<1024x2000xf32>
    %add3A_104 = arith.addf %add3A_103, %dot_general3A_102 : vector<1024x2000xf32>
    %get3A_105 = arith.constant 0 : index
    %get3A_106 = arith.constant 8000 : index
    %get3A_107 = vector.load %arg4[%get3A_105, %get3A_106] : memref<1x10000xf32, #tpu.memory_space<vmem>>, vector<1x2000xf32>
    %add3A_108 = vector.broadcast %get3A_107 : vector<1x2000xf32> to vector<1024x2000xf32>
    %add3A_109 = arith.addf %add3A_104, %add3A_108 : vector<1024x2000xf32>
    %reduce_min3A_110 = arith.constant dense<0x7F800000> : vector<1024xf32>
    %reduce_min3A_111 = vector.multi_reduction <minimumf>, %add3A_109, %reduce_min3A_110 [1] : vector<1024x2000xf32> to vector<1024xf32>
    %broadcast_in_dim3A_112 = vector.shape_cast %reduce_min3A_111 : vector<1024xf32> to vector<1024x1xf32>
    %argmin3A_113 = tpu.reduce_index %add3A_109 {axis = 1 : i32, kind = #tpu.reduction_kind<arg_min>} : vector<1024x2000xf32> -> vector<1024xi32>
    %broadcast_in_dim3A_114 = vector.shape_cast %argmin3A_113 : vector<1024xi32> to vector<1024x1xi32>
    %add3A_115 = arith.constant 8000 : i32
    %add3A_116 = vector.broadcast %add3A_115 : i32 to vector<1024x1xi32>
    %add3A_117 = arith.addi %broadcast_in_dim3A_114, %add3A_116 : vector<1024x1xi32>
    %lt3A_118 = arith.cmpf olt, %broadcast_in_dim3A_112, %select_n3A_96 : vector<1024x1xf32>
    %select_n3A_119 = arith.select %lt3A_118, %add3A_117, %select_n3A_97 : vector<1024x1xi1>, vector<1024x1xi32>
    %reshape3A = vector.shape_cast %select_n3A_119 : vector<1024x1xi32> to vector<1024xi32>
    %swap3A = arith.constant 0 : index
    %swap3A_120 = vector.load %arg3[%swap3A] : memref<1024xi32, #tpu.memory_space<vmem>>, vector<1024xi32>
    tpu.vector_store %arg3[%swap3A], %reshape3A {strides = array<i32>} : memref<1024xi32, #tpu.memory_space<vmem>>, vector<1024xi32>,
    return
  }
  func.func @transform_0(%arg0: i32) -> (i32, i32) {
    %c0_i32 = arith.constant 0 : i32
    %c0_i32_0 = arith.constant 0 : i32
    return %arg0, %c0_i32 : i32, i32
  }
  func.func @transform_1(%arg0: i32) -> (i32, i32) {
    %c0_i32 = arith.constant 0 : i32
    %c0_i32_0 = arith.constant 0 : i32
    %c0_i32_1 = arith.constant 0 : i32
    return %c0_i32, %c0_i32_0 : i32, i32
  }
  func.func @transform_2(%arg0: i32) -> i32 {
    %c0_i32 = arith.constant 0 : i32
    return %arg0 : i32
  }
}

</mosaic_0001>

<sc_bundles>
// kernel: kernel.4.cloned.1.call-start
scs
__scs_entry_jumppad:
0x0: {  	(pc) =	sbr.rel $0x88, $3  }
0x1: {  	(tag) =	ssettag $0x0;
	lr =	simm.s32 $0x1  }
0x2: {  	[smem:$0x3F9F] =	sst lr;
	_ =	strace $0xD0000000  }
0x3: {  	_ = 	snop  }
0x4: {  	_ = 	snop  }
0x5: {  	_ = 	snop  }
0x6: {  	_ = 	snop  }
0x7: {  	_ = 	snop  }
__scs_overlays_trampoline_lowered:
0x8: {  	[smem:$0x3FAE] =	sst s0  }
0x9: {  	[smem:$0x3FAF] =	sst s1  }
0xa: {  	[smem:$0x3FB0] =	sst s2  }
0xb: {  	[smem:$0x3FB1] =	sst s3  }
0xc: {  	[smem:$0x3FB2] =	sst s4  }
0xd: {  	[smem:$0x3FB3] =	sst s5  }
0xe: {  	[smem:$0x3FB4] =	sst s6  }
0xf: {  	[smem:$0x3FB5] =	sst s7  }
0x10: {  	[smem:$0x3FB6] =	sst s8  }
0x11: {  	[smem:$0x3FB7] =	sst s9;
	s0 =	simm.s32 @!p0 $0x0  }
0x12: {  	s1 =	sld [smem:$0x3F9D];
	s0 =	simm.s32 @p0 $0x1  }
0x13: {  	[smem:$0x3FB8] =	sst s0;
	s0 =	simm.s32 @!p1 $0x0  }
0x14: {  	s2 =	sld [smem:$0x3F9C];
	s0 =	simm.s32 @p1 $0x1  }
0x15: {  	[smem:$0x3FB9] =	sst s0;
	s0 =	simm.s32 @!p2 $0x0  }
0x16: {  	s3 =	sld [smem:$0x3FDB];
	s0 =	simm.s32 @p2 $0x1  }
0x17: {  	s4 =	simm.s32 $0x1BF5;
	[smem:$0x3FBB] =	sst s0  }
0x18: {  	s0 =	sld [smem:$0x3F9E];
	_ =	swait.ge [sflag:s4], $0x0  }
0x19: {  	s7 =	sld [smem:$0x3F9F]  }
0x1a: {  	s8 =	sadd.s32 $0xFFFFE003, lr  }
0x1b: {  	s9 =	sadd.s32 $0xFFFFFEF7, lr;
	s5 =	simm.s32 $0xFFFFFFFF;
	p2 =	slt.u32 s8, $0xFFFFF086  }
0x1c: {  	p1 =	slt.u32 s9, $0xF7A;
	s5 =	simm.s32 @!p2 $0x0  }
0x1d: {  	s5 =	simm.s32 @p1 $0x1;
	p0 =	seq.s32 s7, s2  }
0x1e: {  	s7 =	smul.u32 @!p0 $0xF7A, s2;
	p2 =	seq.s32 @!p0 s5, $0x0  }
0x1f: {  	s9 =	smul.u32 $0xF7A, s1;
	s8 =	simm.s32 @!p0 $0x1BF5;
	p2 =	por !p2, p0  }
0x20: {  	[sflag:s8] =	ssyncset.s32 @!p0 $0xFFFFF086;
	s6 =	sadd.s32 @!p0 s3, s7;
	s7 =	simm.s32 @!p0 $0x108  }
0x21: {  	s3 =	sadd.s32 s3, s9;
	s6 =	sadd.s32 @!p0 $0x88, s6;
	s7 =	simm.s32 @p2 $0x1082  }
0x22: {  	[simem:s7], [sflag:s8] =	dma.local @!p0 [hbm:s6], $0xF7A  }
0x23: {  	s9 =	sor.u32 $0xD0000000, s2;
	s6 =	simm.s32 $0x108;
	_ =	swait.ge @!p0 [sflag:s8], $0x0  }
0x24: {  	s3 =	sadd.s32 $0x88, s3;
	s6 =	simm.s32 @!p1 $0x1082;
	[sflag:s4] =	ssyncset.s32 $0xFFFFF086  }
0x25: {  	[simem:s6], [sflag:s4] =	dma.local [hbm:s3], $0xF7A  }
0x26: {  	[smem:$0x3F9F] =	sst s1;
	(tag) =	ssettag s2;
	_ =	strace s9  }
0x27: {  	s1 =	sld [smem:$0x3FAF]  }
0x28: {  	s2 =	sld [smem:$0x3FB0]  }
0x29: {  	s4 =	sld [smem:$0x3FB2]  }
0x2a: {  	p0 =	seq.s32 s5, $0x0;
	s5 =	sld [smem:$0x3FB3]  }
0x2b: {  	s6 =	sld [smem:$0x3FB4]  }
0x2c: {  	s7 =	sld [smem:$0x3FB5]  }
0x2d: {  	s3 =	simm.s32 $0x108;
	s8 =	sld [smem:$0x3FB6]  }
0x2e: {  	s3 =	simm.s32 @!p0 $0x1082;
	s9 =	sld [smem:$0x3FB7]  }
0x2f: {  	lr =	sadd.s32 s0, s3;
	s0 =	sld [smem:$0x3FAE]  }
0x30: {  	s3 =	sld [smem:$0x3FB1]  }
0x31: {  	[smem:$0x3FBA] =	sst s10  }
0x32: {  	s10 =	sld [smem:$0x3FB8];
	_ =	sdelay $0x3  }
0x33: {  	p0 =	seq.s32 s10, $0x1;
	s10 =	sld [smem:$0x3FBA];
	_ =	sdelay $0x3  }
0x34: {  	[smem:$0x3FBA] =	sst s10  }
0x35: {  	s10 =	sld [smem:$0x3FB9];
	_ =	sdelay $0x3  }
0x36: {  	p1 =	seq.s32 s10, $0x1;
	s10 =	sld [smem:$0x3FBA];
	_ =	sdelay $0x3  }
0x37: {  	[smem:$0x3FBA] =	sst s10  }
0x38: {  	s10 =	sld [smem:$0x3FBB]  }
0x39: {  	_ = 	snop;
	(pc) =	sbr.ind lr, $3  }
0x3a: {  	_ = 	snop  }
0x3b: {  	_ = 	snop  }
0x3c: {  	p2 =	seq.s32 s10, $0x1;
	s10 =	sld [smem:$0x3FBA]  }
0x3d: {  	_ =	shalt  }
0x3e: {  	_ =	shalt  }
0x3f: {  	_ =	shalt  }
0x40: {  	_ =	shalt  }
0x41: {  	_ =	shalt  }
0x42: {  	_ =	shalt  }
0x43: {  	_ =	shalt  }
0x44: {  	_ =	shalt  }
0x45: {  	_ =	shalt  }
0x46: {  	_ =	shalt  }
0x47: {  	_ =	shalt  }
0x48: {  	_ =	shalt  }
0x49: {  	_ =	shalt  }
0x4a: {  	_ =	shalt  }
0x4b: {  	_ =	shalt  }
0x4c: {  	_ =	shalt  }
0x4d: {  	_ =	shalt  }
0x4e: {  	_ =	shalt  }
0x4f: {  	_ =	shalt  }
0x50: {  	_ =	shalt  }
0x51: {  	_ =	shalt  }
0x52: {  	_ =	shalt  }
0x53: {  	_ =	shalt  }
0x54: {  	_ =	shalt  }
0x55: {  	_ =	shalt  }
0x56: {  	_ =	shalt  }
0x57: {  	_ =	shalt  }
0x58: {  	_ =	shalt  }
0x59: {  	_ =	shalt  }
0x5a: {  	_ =	shalt  }
0x5b: {  	_ =	shalt  }
0x5c: {  	_ =	shalt  }
0x5d: {  	_ =	shalt  }
0x5e: {  	_ =	shalt  }
0x5f: {  	_ =	shalt  }
0x60: {  	_ =	shalt  }
0x61: {  	_ =	shalt  }
0x62: {  	_ =	shalt  }
0x63: {  	_ =	shalt  }
0x64: {  	_ =	shalt  }
0x65: {  	_ =	shalt  }
0x66: {  	_ =	shalt  }
0x67: {  	_ =	shalt  }
0x68: {  	_ =	shalt  }
0x69: {  	_ =	shalt  }
0x6a: {  	_ =	shalt  }
0x6b: {  	_ =	shalt  }
0x6c: {  	_ =	shalt  }
0x6d: {  	_ =	shalt  }
0x6e: {  	_ =	shalt  }
0x6f: {  	_ =	shalt  }
0x70: {  	_ =	shalt  }
0x71: {  	_ =	shalt  }
0x72: {  	_ =	shalt  }
0x73: {  	_ =	shalt  }
0x74: {  	_ =	shalt  }
0x75: {  	_ =	shalt  }
0x76: {  	_ =	shalt  }
0x77: {  	_ =	shalt  }
0x78: {  	_ =	shalt  }
0x79: {  	_ =	shalt  }
0x7a: {  	_ =	shalt  }
0x7b: {  	_ =	shalt  }
0x7c: {  	_ =	shalt  }
0x7d: {  	_ =	shalt  }
0x7e: {  	_ =	shalt  }
0x7f: {  	_ =	shalt  }
0x80: {  	_ =	shalt  }
0x81: {  	_ =	shalt  }
0x82: {  	_ =	shalt  }
0x83: {  	_ =	shalt  }
0x84: {  	_ =	shalt  }
0x85: {  	_ =	shalt  }
0x86: {  	_ =	shalt  }
0x87: {  	_ =	shalt  }
.Lfunc_end0:
.L_simem_size_0:
called_computation_lowered:
.L_overlay_start_0:
0x88: {  	s2 =	sld [smem:$0x3FD9]  }
0x89: {  	s3 =	sld [smem:$0x3FFE];
	_ =	sdelay $0x1  }
0x8a: {  	s1 =	srdreg.scid  }
0x8b: {  	s0 =	sand.u32 $0x1, s1  }
0x8c: {  	s17 =	sshll.u32 s0, $0xA;
	s2 =	sadd.s32 s3, s2  }
0x8d: {  	s2 =	sadd.s32 s2, s17  }
0x8e: {  	[smem:$0x3FC6] =	sst s2  }
0x8f: {  	_ = 	snop  }
0x90: {  	s2 =	sld [smem:$0x3FD0];
	(tm) =	ssettm $0x1  }
0x91: {  	s18 =	sld [smem:$0x3FFB];
	_ =	sdelay $0x3  }
0x92: {  	_ =	strace s18  }
0x93: {  	s3 =	sld [smem:$0x3FFC];
	_ =	sdelay $0x3  }
0x94: {  	_ =	strace s3  }
0x95: {  	s3 =	sld [smem:$0x3FFD];
	_ =	sdelay $0x3  }
0x96: {  	_ =	strace s3  }
0x97: {  	_ =	strace $0x8FFFFFFF  }
0x98: {  	s19 =	sld [smem:$0x3FDB];
	_ =	sdelay $0x1  }
0x99: {  	s4 =	simm.s32 $_scs_section_size  }
0x9a: {  	s5 =	simm.s32 $_size__tile_overlayer_lowered;
	s6 =	simm.s32 $_tile_overlayer_lowered  }
0x9b: {  	s22 =	simm.s32 $0x1BFF;
	s21 =	sshll.u32 s6, $0x1;
	s3 =	sadd.s32 s4, s19  }
0x9c: {  	s7 =	simm.s32 $0x0;
	s20 =	sshll.u32 s5, $0x1;
	s5 =	sadd.s32 s21, s3  }
0x9d: {  	[timem:s7], [sflag:s22] =	dma.local [hbm:s5], s20  }
0x9e: {  	_ =	swait.ge [sflag:s22], s20  }
0x9f: {  	s4 =	ssub.s32 $0x0, s20;
	[sflag:s22] =	ssyncset.done $0x0  }
0xa0: {  	[sflag:s22] =	ssyncadd.s32 s4;
	_ =	sdelay $0x1  }
0xa1: {  	s23 =	simm.s32 $0x1B8B  }
0xa2: {  	_ =	swait.ge [sflag:s23], $0x1  }
0xa3: {  	[sflag:s23] =	ssyncset.done $0x0  }
0xa4: {  	s25 =	simm.s32 $0x1B8E;
	s24 =	sld [smem:$0x3FFE];
	[sflag:s23] =	ssyncadd.s32 $0xFFFFFFFF  }
0xa5: {  	s26 =	simm.s32 $execute0_lowered;
	[smem:$0x3FD2] =	sst s25  }
0xa6: {  	s5 =	sshll.u32 s26, $0x1;
	_ =	strace $0x80000046;
	[dreg:$0x1] =	wrdreg $0xFFFFFFFF  }
0xa7: {  	s28 =	simm.s32 $_size_execute0_lowered;
	s3 =	sadd.s32 s3, s5;
	[dreg:$0x0] =	wrdreg $0x0  }
0xa8: {  	s5 =	sshll.u32 s28, $0x1;
	[dreg:$0x2] =	wrdreg s3  }
0xa9: {  	[dreg:$0x3] =	wrdreg s5  }
0xaa: {  	[dreg:$0x4] =	wrdreg $0xC0  }
0xab: {  	_ =	task [dreg:s7], $0x5FFFF  }
0xac: {  	[dreg:$0x1] =	wrdreg $0xFFFFFFFF  }
0xad: {  	[dreg:$0x0] =	wrdreg $0x60  }
0xae: {  	[dreg:$0x2] =	wrdreg s24  }
0xaf: {  	[dreg:$0x3] =	wrdreg s2  }
0xb0: {  	[dreg:$0x4] =	wrdreg $0x9  }
0xb1: {  	_ =	task.clear_ibuf [dreg:s7], $0x5FFFF;
	_ =	strace $0x90000046  }
0xb2: {  	s29 =	simm.s32 $0x9;
	_ =	strace $0x80000048  }
0xb3: {  	_ =	swait.ge [sflag:s29], $0x1  }
0xb4: {  	[sflag:s29] =	ssyncadd.s32 $0xFFFFFFFF  }
0xb5: {  	_ =	strace $0x90000048  }
0xb6: {  	_ =	sfence  }
0xb7: {  	s30 =	sld [smem:$0x0];
	_ =	sdelay $0x2  }
0xb8: {  	s31 =	sshll.u32 s1, $0xD;
	s1 =	sshrl.u32 s1, $0x2  }
0xb9: {  	s3 =	sand.u32 $0x4000, s31;
	s1 =	sadd.s32 s1, s30  }
0xba: {  	s0 =	sor.u32 s3, s0;
	s1 =	sshll.u32 s1, $0x11  }
0xbb: {  	s0 =	sor.u32 s1, s0  }
0xbc: {  	s0 =	sadd.s32 $0x8F2B, s0  }
0xbd: {  	[sflag:s0] =	ssyncadd.remote.s32 $0x1  }
0xbe: {  	_ =	sfence.sel $0xFFFF  }
0xbf: {  	[dreg:$0x0] =	wrdreg $0xFFFFFFFF;
	(pc) =	sbr.abs _section_cstart, $3  }
0xc0: {  	[dreg:$0x1] =	wrdreg $0xFFFFFFFF  }
0xc1: {  	_ =	task.clear_ibuf [dreg:s7], $0x2FFFF;
	_ =	strace $0x9FFFFFFF  }
0xc2: {  	(tm) =	ssettm $0x7FFFFFFF  }
0xc3: {  	_ =	shalt  }
tec
execute0_lowered:
.L_overlay_start_1:
0x0: {  	(tag) =	ssettag $0x1  }
0x1: {  	s1 =	srdreg.scid  }
0x2: {  	s0 =	stileid.u32;
	s4 =	sand.u32 $0x1, s1  }
0x3: {  	s5 =	rddreg [dreg:$0x1];
	s2 =	sshll.u32 s0, $0x5;
	s3 =	sshll.u32 s4, $0x4  }
0x4: {  	s1 =	rddreg [dreg:$0x0];
	s3 =	sor.u32 s3, s2;
	s2 =	simm.s32 $0x0  }
0x5: {  	s6 =	smul.u32 $0x380, s3;
	[smem:$0x7FF] =	sst s2;
	s3 =	sadd.s32 s5, s3  }
0x6: {  	s8 =	simm.s32 $0x880;
	_ =	strace $0x80000047;
	[dreg:$0x3] =	wrdreg s3  }
0x7: {  	s9 =	simm.s32 $0x1080;
	[dreg:$0x5] =	wrdreg s8  }
0x8: {  	s10 =	simm.s32 $0x1880;
	[dreg:$0x6] =	wrdreg s9  }
0x9: {  	s11 =	simm.s32 $0x1C80;
	[dreg:$0x7] =	wrdreg s10  }
0xa: {  	s12 =	simm.s32 $0x2480;
	[dreg:$0x8] =	wrdreg s11  }
0xb: {  	s13 =	simm.s32 $0x2C80;
	[dreg:$0x9] =	wrdreg s12  }
0xc: {  	s14 =	simm.s32 $0x3480;
	[dreg:$0xa] =	wrdreg s13  }
0xd: {  	s15 =	simm.s32 $0x3880;
	[dreg:$0xb] =	wrdreg s14  }
0xe: {  	s16 =	simm.s32 $0x4080;
	[dreg:$0xc] =	wrdreg s15  }
0xf: {  	s17 =	simm.s32 $0x4880;
	[dreg:$0xd] =	wrdreg s16  }
0x10: {  	s18 =	simm.s32 $0x5080;
	[dreg:$0xe] =	wrdreg s17  }
0x11: {  	s19 =	simm.s32 $0x5480;
	[dreg:$0xf] =	wrdreg s18  }
0x12: {  	s20 =	simm.s32 $0x5C80;
	[dreg:$0x10] =	wrdreg s19  }
0x13: {  	s21 =	simm.s32 $0x6480;
	[dreg:$0x11] =	wrdreg s20  }
0x14: {  	s22 =	simm.s32 $0x6C80;
	[dreg:$0x12] =	wrdreg s21  }
0x15: {  	s23 =	simm.s32 $0x7080;
	[dreg:$0x13] =	wrdreg s22  }
0x16: {  	s24 =	simm.s32 $0x7880;
	[dreg:$0x14] =	wrdreg s23  }
0x17: {  	s25 =	simm.s32 $0x8080;
	[dreg:$0x15] =	wrdreg s24  }
0x18: {  	s26 =	simm.s32 $0x8880;
	[dreg:$0x16] =	wrdreg s25  }
0x19: {  	s0 =	simm.s32 $0x8C80;
	[dreg:$0x17] =	wrdreg s26  }
0x1a: {  	s5 =	simm.s32 $0x9480;
	[dreg:$0x18] =	wrdreg s0  }
0x1b: {  	[dreg:$0x19] =	wrdreg s5;
	s8 =	simm.s32 $0xA880  }
0x1c: {  	s9 =	simm.s32 $0xB080;
	[dreg:$0x1c] =	wrdreg s8  }
0x1d: {  	s10 =	simm.s32 $0xB880;
	[dreg:$0x1d] =	wrdreg s9  }
0x1e: {  	s11 =	simm.s32 $0xC080;
	[dreg:$0x1e] =	wrdreg s10  }
0x1f: {  	s12 =	simm.s32 $0xC480;
	[dreg:$0x1f] =	wrdreg s11  }
0x20: {  	s13 =	simm.s32 $0xCC80;
	[smem:$0x7EF] =	sst s12  }
0x21: {  	s14 =	simm.s32 $0xD480;
	[smem:$0x7F0] =	sst s13  }
0x22: {  	s28 =	simm.s32 $0x1A480;
	s15 =	simm.s32 $0xDC80;
	[smem:$0x7F1] =	sst s14  }
0x23: {  	s29 =	simm.s32 $0x1AC80;
	s16 =	simm.s32 $0xE080;
	[smem:$0x7F2] =	sst s15  }
0x24: {  	s30 =	simm.s32 $0x1B480;
	s17 =	simm.s32 $0xE880;
	[smem:$0x7F3] =	sst s16  }
0x25: {  	s31 =	simm.s32 $0x1BC80;
	s18 =	simm.s32 $0xF080;
	[smem:$0x7F4] =	sst s17  }
0x26: {  	s4 =	ssub.s32 $0x2, s4;
	s19 =	simm.s32 $0xF880;
	[smem:$0x7F5] =	sst s18  }
0x27: {  	s3 =	sadd.s32 $0x181C00, s1;
	s21 =	simm.s32 $0xFC80;
	[smem:$0x7F6] =	sst s19  }
0x28: {  	s20 =	sshrl.u32 s4, $0x1;
	s22 =	simm.s32 $0x10480;
	[smem:$0x7F7] =	sst s21  }
0x29: {  	s23 =	simm.s32 $0x10C80;
	s5 =	sadd.s32 $0x181E00, s1;
	[smem:$0x7F8] =	sst s22  }
0x2a: {  	s24 =	simm.s32 $0x11880;
	s25 =	simm.s32 $0x12080;
	[smem:$0x7F9] =	sst s23  }
0x2b: {  	s26 =	simm.s32 $0x12880;
	s6 =	sadd.s32 s6, s1;
	[smem:$0x7FB] =	sst s24  }
0x2c: {  	s8 =	simm.s32 $0x11480;
	[smem:$0x7FC] =	sst s25;
	s9 =	simm.s32 $0x80  }
0x2d: {  	[smem:$0x7FD] =	sst s26;
	s11 =	simm.s32 $0x13480;
	s12 =	simm.s32 $0x13C80  }
0x2e: {  	s13 =	simm.s32 $0x14480;
	s14 =	simm.s32 $0x14C80;
	s15 =	simm.s32 $0x15080  }
0x2f: {  	s16 =	simm.s32 $0x15880;
	s17 =	simm.s32 $0x16080;
	s18 =	simm.s32 $0x16880  }
0x30: {  	s19 =	simm.s32 $0x16C80;
	s21 =	simm.s32 $0x17C80;
	s22 =	simm.s32 $0x18480  }
0x31: {  	s23 =	simm.s32 $0x18880;
	s24 =	simm.s32 $0x19080;
	s25 =	simm.s32 $0x19880  }
0x32: {  	s26 =	simm.s32 $0x1A080;
	s7 =	sadd.s32 $0x400, s6;
	[smem:$0x7FA] =	sst s8  }
0x33: {  	s6 =	simm.s32 $0x9C80;
	s8 =	simm.s32 $0x2;
	[dreg:$0x4] =	wrdreg s7  }
0x34: {  	v2 =	vlaneseq.u32;
	[dreg:$0x1a] =	wrdreg s6;
	s7 =	simm.s32 $0xA480;
	s6 =	sadd.s32 $0x181F00, s1  }
0x35: {  	vm0 =	vmmov $0xffff;
	vm1 =	vmmov $0xff;
	v1 =	vshrl.u32 v2, $0x3;
	[dreg:$0x1b] =	wrdreg s7;
	s7 =	ssub.s32 s4, s20;
	s4 =	sadd.s32 $0x181D00, s1  }
0x36: {  	v0 =	vand.u32 $0x7, v2;
	v2 =	vor.u32 $0x8, v2;
	v1 =	vmul.u32 $0x8, v1;
	s20 =	simm.s32 $0x17480;
	s1 =	simm.s32 $0x1;
	s7 =	smax.u32 s7, $0x1  }
.LBB2_1:
0x37: {  	s0 =	rddreg [dreg:$0x3]  }
0x38: {  	[tilespmem:s2], [sflag:$0x2] =	stream.linear.gather [hbm4b:s0+s2], $0x80, $0x38;
	[tilespmem:$0x1C080] =	vst v63  }
0x39: {  	_ =	swait.ge [sflag:s8], $0x80  }
0x3a: {  	[sflag:s8] =	ssyncset.done $0x0  }
0x3b: {  	[sflag:s8] =	ssyncadd.s32 $0xFFFFFF80  }
0x3c: {  	v3 =	vld [tilespmem:$0x0];
	_ =	sdelay $0x4  }
0x3d: {  	v4 =	vshrl.u32 v3, $0x3  }
0x3e: {  	v4 =	vmul.u32 $0x38, v4  }
0x3f: {  	v3 =	vand.u32 $0x7, v3  }
0x40: {  	v3 =	vor.u32 v3, v4  }
0x41: {  	v4 =	vperm.xlane v3, v0;
	_ =	sdelay $0x1  }
0x42: {  	v4 =	vadd.s32 v1, v4;
	_ =	sdelay $0x4  }
0x43: {  	[tilespmem:s9], [sflag:$0x1] =	stream.indirect_vreg.gather [hbm4b:s3+s2], $0x80, v4, vm0, $0xb8;
	[tilespmem:$0x1C080] =	vst v63  }
0x44: {  	s0 =	rddreg [dreg:$0x5];
	v3 =	vperm.xlane v3, v2  }
0x45: {  	[tilespmem:s0], [sflag:$0x1] =	stream.indirect_vreg.gather [hbm4b:s4+s2], $0x80, v4, vm0, $0xb8;
	[tilespmem:$0x1C080] =	vst v63  }
0x46: {  	s10 =	rddreg [dreg:$0x6];
	v3 =	vadd.s32 v1, v3  }
0x47: {  	[tilespmem:s10], [sflag:$0x1] =	stream.indirect_vreg.gather [hbm4b:s5+s2], $0x80, v4, vm0, $0xb8;
	[tilespmem:$0x1C080] =	vst v63  }
0x48: {  	s0 =	rddreg [dreg:$0x7]  }
0x49: {  	[tilespmem:s0], [sflag:$0x1] =	stream.indirect_vreg.gather [hbm4b:s6+s2], $0x80, v4, vm1, $0xb8;
	[tilespmem:$0x1C080] =	vst v63  }
0x4a: {  	s10 =	rddreg [dreg:$0x8]  }
0x4b: {  	[tilespmem:s10], [sflag:$0x1] =	stream.indirect_vreg.gather [hbm4b:s3+s2], $0x80, v3, vm0, $0xb8;
	[tilespmem:$0x1C080] =	vst v63  }
0x4c: {  	s0 =	rddreg [dreg:$0x9]  }
0x4d: {  	[tilespmem:s0], [sflag:$0x1] =	stream.indirect_vreg.gather [hbm4b:s4+s2], $0x80, v3, vm0, $0xb8;
	[tilespmem:$0x1C080] =	vst v63  }
0x4e: {  	s10 =	rddreg [dreg:$0xa]  }
0x4f: {  	[tilespmem:s10], [sflag:$0x1] =	stream.indirect_vreg.gather [hbm4b:s5+s2], $0x80, v3, vm0, $0xb8;
	[tilespmem:$0x1C080] =	vst v63  }
0x50: {  	s0 =	rddreg [dreg:$0xb]  }
0x51: {  	[tilespmem:s0], [sflag:$0x1] =	stream.indirect_vreg.gather [hbm4b:s6+s2], $0x80, v3, vm1, $0xb8;
	[tilespmem:$0x1C080] =	vst v63  }
0x52: {  	v3 =	vld [tilespmem:$0x10];
	_ =	sdelay $0x4  }
0x53: {  	v57 =	vshrl.u32 v3, $0x3  }
0x54: {  	v4 =	vmul.u32 $0x38, v57  }
0x55: {  	v3 =	vand.u32 $0x7, v3  }
0x56: {  	v3 =	vor.u32 v3, v4  }
0x57: {  	v4 =	vperm.xlane v3, v0;
	_ =	sdelay $0x1  }
0x58: {  	v4 =	vadd.s32 v1, v4;
	_ =	sdelay $0x3  }
0x59: {  	s0 =	rddreg [dreg:$0xc]  }
0x5a: {  	[tilespmem:s0], [sflag:$0x1] =	stream.indirect_vreg.gather [hbm4b:s3+s2], $0x80, v4, vm0, $0xb8;
	[tilespmem:$0x1C080] =	vst v63  }
0x5b: {  	s10 =	rddreg [dreg:$0xd];
	v3 =	vperm.xlane v3, v2  }
0x5c: {  	[tilespmem:s10], [sflag:$0x1] =	stream.indirect_vreg.gather [hbm4b:s4+s2], $0x80, v4, vm0, $0xb8;
	[tilespmem:$0x1C080] =	vst v63  }
0x5d: {  	v3 =	vadd.s32 v1, v3;
	s0 =	rddreg [dreg:$0xe]  }
0x5e: {  	[tilespmem:s0], [sflag:$0x1] =	stream.indirect_vreg.gather [hbm4b:s5+s2], $0x80, v4, vm0, $0xb8;
	[tilespmem:$0x1C080] =	vst v63  }
0x5f: {  	s10 =	rddreg [dreg:$0xf]  }
0x60: {  	[tilespmem:s10], [sflag:$0x1] =	stream.indirect_vreg.gather [hbm4b:s6+s2], $0x80, v4, vm1, $0xb8;
	[tilespmem:$0x1C080] =	vst v63  }
0x61: {  	s0 =	rddreg [dreg:$0x10]  }
0x62: {  	[tilespmem:s0], [sflag:$0x1] =	stream.indirect_vreg.gather [hbm4b:s3+s2], $0x80, v3, vm0, $0xb8;
	[tilespmem:$0x1C080] =	vst v63  }
0x63: {  	s10 =	rddreg [dreg:$0x11]  }
0x64: {  	[tilespmem:s10], [sflag:$0x1] =	stream.indirect_vreg.gather [hbm4b:s4+s2], $0x80, v3, vm0, $0xb8;
	[tilespmem:$0x1C080] =	vst v63  }
0x65: {  	s0 =	rddreg [dreg:$0x12]  }
0x66: {  	[tilespmem:s0], [sflag:$0x1] =	stream.indirect_vreg.gather [hbm4b:s5+s2], $0x80, v3, vm0, $0xb8;
	[tilespmem:$0x1C080] =	vst v63  }
0x67: {  	s10 =	rddreg [dreg:$0x13]  }
0x68: {  	[tilespmem:s10], [sflag:$0x1] =	stream.indirect_vreg.gather [hbm4b:s6+s2], $0x80, v3, vm1, $0xb8;
	[tilespmem:$0x1C080] =	vst v63  }
0x69: {  	v3 =	vld [tilespmem:$0x20];
	_ =	sdelay $0x4  }
0x6a: {  	v58 =	vshrl.u32 v3, $0x3  }
0x6b: {  	v4 =	vmul.u32 $0x38, v58  }
0x6c: {  	v3 =	vand.u32 $0x7, v3  }
0x6d: {  	v3 =	vor.u32 v3, v4  }
0x6e: {  	v4 =	vperm.xlane v3, v0;
	_ =	sdelay $0x1  }
0x6f: {  	v4 =	vadd.s32 v1, v4;
	_ =	sdelay $0x3  }
0x70: {  	s0 =	rddreg [dreg:$0x14]  }
0x71: {  	[tilespmem:s0], [sflag:$0x1] =	stream.indirect_vreg.gather [hbm4b:s3+s2], $0x80, v4, vm0, $0xb8;
	[tilespmem:$0x1C080] =	vst v63  }
0x72: {  	s10 =	rddreg [dreg:$0x15];
	v3 =	vperm.xlane v3, v2  }
0x73: {  	[tilespmem:s10], [sflag:$0x1] =	stream.indirect_vreg.gather [hbm4b:s4+s2], $0x80, v4, vm0, $0xb8;
	[tilespmem:$0x1C080] =	vst v63  }
0x74: {  	v3 =	vadd.s32 v1, v3;
	s0 =	rddreg [dreg:$0x16]  }
0x75: {  	[tilespmem:s0], [sflag:$0x1] =	stream.indirect_vreg.gather [hbm4b:s5+s2], $0x80, v4, vm0, $0xb8;
	[tilespmem:$0x1C080] =	vst v63  }
0x76: {  	s10 =	rddreg [dreg:$0x17]  }
0x77: {  	[tilespmem:s10], [sflag:$0x1] =	stream.indirect_vreg.gather [hbm4b:s6+s2], $0x80, v4, vm1, $0xb8;
	[tilespmem:$0x1C080] =	vst v63  }
0x78: {  	s0 =	rddreg [dreg:$0x18]  }
0x79: {  	[tilespmem:s0], [sflag:$0x1] =	stream.indirect_vreg.gather [hbm4b:s3+s2], $0x80, v3, vm0, $0xb8;
	[tilespmem:$0x1C080] =	vst v63  }
0x7a: {  	s10 =	rddreg [dreg:$0x19]  }
0x7b: {  	[tilespmem:s10], [sflag:$0x1] =	stream.indirect_vreg.gather [hbm4b:s4+s2], $0x80, v3, vm0, $0xb8;
	[tilespmem:$0x1C080] =	vst v63  }
0x7c: {  	s0 =	rddreg [dreg:$0x1a]  }
0x7d: {  	[tilespmem:s0], [sflag:$0x1] =	stream.indirect_vreg.gather [hbm4b:s5+s2], $0x80, v3, vm0, $0xb8;
	[tilespmem:$0x1C080] =	vst v63  }
0x7e: {  	s10 =	rddreg [dreg:$0x1b]  }
0x7f: {  	[tilespmem:s10], [sflag:$0x1] =	stream.indirect_vreg.gather [hbm4b:s6+s2], $0x80, v3, vm1, $0xb8;
	[tilespmem:$0x1C080] =	vst v63  }
0x80: {  	v3 =	vld [tilespmem:$0x30];
	_ =	sdelay $0x4  }
0x81: {  	v59 =	vshrl.u32 v3, $0x3  }
0x82: {  	v4 =	vmul.u32 $0x38, v59  }
0x83: {  	v3 =	vand.u32 $0x7, v3  }
0x84: {  	v3 =	vor.u32 v3, v4  }
0x85: {  	v4 =	vperm.xlane v3, v0;
	_ =	sdelay $0x1  }
0x86: {  	v4 =	vadd.s32 v1, v4;
	_ =	sdelay $0x2  }
0x87: {  	s0 =	rddreg [dreg:$0x1c]  }
0x88: {  	s10 =	rddreg [dreg:$0x1d]  }
0x89: {  	[tilespmem:s0], [sflag:$0x1] =	stream.indirect_vreg.gather [hbm4b:s3+s2], $0x80, v4, vm0, $0xb8;
	[tilespmem:$0x1C080] =	vst v63  }
0x8a: {  	v3 =	vperm.xlane v3, v2;
	s0 =	rddreg [dreg:$0x1e]  }
0x8b: {  	[tilespmem:s10], [sflag:$0x1] =	stream.indirect_vreg.gather [hbm4b:s4+s2], $0x80, v4, vm0, $0xb8;
	[tilespmem:$0x1C080] =	vst v63  }
0x8c: {  	v3 =	vadd.s32 v1, v3;
	s10 =	rddreg [dreg:$0x1f]  }
0x8d: {  	[tilespmem:s0], [sflag:$0x1] =	stream.indirect_vreg.gather [hbm4b:s5+s2], $0x80, v4, vm0, $0xb8;
	[tilespmem:$0x1C080] =	vst v63  }
0x8e: {  	s0 =	sld [smem:$0x7EF]  }
0x8f: {  	[tilespmem:s10], [sflag:$0x1] =	stream.indirect_vreg.gather [hbm4b:s6+s2], $0x80, v4, vm1, $0xb8;
	[tilespmem:$0x1C080] =	vst v63  }
0x90: {  	s10 =	sld [smem:$0x7F0]  }
0x91: {  	[tilespmem:s0], [sflag:$0x1] =	stream.indirect_vreg.gather [hbm4b:s3+s2], $0x80, v3, vm0, $0xb8;
	[tilespmem:$0x1C080] =	vst v63  }
0x92: {  	s0 =	sld [smem:$0x7F1]  }
0x93: {  	[tilespmem:s10], [sflag:$0x1] =	stream.indirect_vreg.gather [hbm4b:s4+s2], $0x80, v3, vm0, $0xb8;
	[tilespmem:$0x1C080] =	vst v63  }
0x94: {  	s10 =	sld [smem:$0x7F2]  }
0x95: {  	[tilespmem:s0], [sflag:$0x1] =	stream.indirect_vreg.gather [hbm4b:s5+s2], $0x80, v3, vm0, $0xb8;
	[tilespmem:$0x1C080] =	vst v63  }
0x96: {  	_ = 	snop  }
0x97: {  	[tilespmem:s10], [sflag:$0x1] =	stream.indirect_vreg.gather [hbm4b:s6+s2], $0x80, v3, vm1, $0xb8;
	[tilespmem:$0x1C080] =	vst v63  }
0x98: {  	v3 =	vld [tilespmem:$0x40];
	_ =	sdelay $0x4  }
0x99: {  	v60 =	vshrl.u32 v3, $0x3  }
0x9a: {  	v4 =	vmul.u32 $0x38, v60  }
0x9b: {  	v3 =	vand.u32 $0x7, v3  }
0x9c: {  	v3 =	vor.u32 v3, v4  }
0x9d: {  	v4 =	vperm.xlane v3, v0;
	_ =	sdelay $0x1  }
0x9e: {  	v4 =	vadd.s32 v1, v4;
	_ =	sdelay $0x1  }
0x9f: {  	s0 =	sld [smem:$0x7F3];
	_ =	sdelay $0x1  }
0xa0: {  	s10 =	sld [smem:$0x7F4]  }
0xa1: {  	[tilespmem:s0], [sflag:$0x1] =	stream.indirect_vreg.gather [hbm4b:s3+s2], $0x80, v4, vm0, $0xb8;
	[tilespmem:$0x1C080] =	vst v63  }
0xa2: {  	v3 =	vperm.xlane v3, v2;
	s0 =	sld [smem:$0x7F5]  }
0xa3: {  	[tilespmem:s10], [sflag:$0x1] =	stream.indirect_vreg.gather [hbm4b:s4+s2], $0x80, v4, vm0, $0xb8;
	[tilespmem:$0x1C080] =	vst v63  }
0xa4: {  	v3 =	vadd.s32 v1, v3;
	s10 =	sld [smem:$0x7F6]  }
0xa5: {  	[tilespmem:s0], [sflag:$0x1] =	stream.indirect_vreg.gather [hbm4b:s5+s2], $0x80, v4, vm0, $0xb8;
	[tilespmem:$0x1C080] =	vst v63  }
0xa6: {  	s0 =	sld [smem:$0x7F7]  }
0xa7: {  	[tilespmem:s10], [sflag:$0x1] =	stream.indirect_vreg.gather [hbm4b:s6+s2], $0x80, v4, vm1, $0xb8;
	[tilespmem:$0x1C080] =	vst v63  }
0xa8: {  	s10 =	sld [smem:$0x7F8]  }
0xa9: {  	[tilespmem:s0], [sflag:$0x1] =	stream.indirect_vreg.gather [hbm4b:s3+s2], $0x80, v3, vm0, $0xb8;
	[tilespmem:$0x1C080] =	vst v63  }
0xaa: {  	s0 =	sld [smem:$0x7F9]  }
0xab: {  	[tilespmem:s10], [sflag:$0x1] =	stream.indirect_vreg.gather [hbm4b:s4+s2], $0x80, v3, vm0, $0xb8;
	[tilespmem:$0x1C080] =	vst v63  }
0xac: {  	s10 =	sld [smem:$0x7FA]  }
0xad: {  	[tilespmem:s0], [sflag:$0x1] =	stream.indirect_vreg.gather [hbm4b:s5+s2], $0x80, v3, vm0, $0xb8;
	[tilespmem:$0x1C080] =	vst v63  }
0xae: {  	_ = 	snop  }
0xaf: {  	[tilespmem:s10], [sflag:$0x1] =	stream.indirect_vreg.gather [hbm4b:s6+s2], $0x80, v3, vm1, $0xb8;
	[tilespmem:$0x1C080] =	vst v63  }
0xb0: {  	v3 =	vld [tilespmem:$0x50];
	_ =	sdelay $0x4  }
0xb1: {  	v61 =	vshrl.u32 v3, $0x3  }
0xb2: {  	v4 =	vmul.u32 $0x38, v61  }
0xb3: {  	v3 =	vand.u32 $0x7, v3  }
0xb4: {  	v3 =	vor.u32 v3, v4  }
0xb5: {  	v4 =	vperm.xlane v3, v0;
	_ =	sdelay $0x1  }
0xb6: {  	v4 =	vadd.s32 v1, v4;
	_ =	sdelay $0x1  }
0xb7: {  	s0 =	sld [smem:$0x7FB];
	_ =	sdelay $0x1  }
0xb8: {  	s10 =	sld [smem:$0x7FC]  }
0xb9: {  	[tilespmem:s0], [sflag:$0x1] =	stream.indirect_vreg.gather [hbm4b:s3+s2], $0x80, v4, vm0, $0xb8;
	[tilespmem:$0x1C080] =	vst v63  }
0xba: {  	v3 =	vperm.xlane v3, v2;
	s0 =	sld [smem:$0x7FD]  }
0xbb: {  	[tilespmem:s10], [sflag:$0x1] =	stream.indirect_vreg.gather [hbm4b:s4+s2], $0x80, v4, vm0, $0xb8;
	[tilespmem:$0x1C080] =	vst v63  }
0xbc: {  	v3 =	vadd.s32 v1, v3  }
0xbd: {  	[tilespmem:s0], [sflag:$0x1] =	stream.indirect_vreg.gather [hbm4b:s5+s2], $0x80, v4, vm0, $0xb8;
	[tilespmem:$0x1C080] =	vst v63  }
0xbe: {  	s10 =	simm.s32 $0x13080  }
0xbf: {  	[tilespmem:s10], [sflag:$0x1] =	stream.indirect_vreg.gather [hbm4b:s6+s2], $0x80, v4, vm1, $0xb8;
	[tilespmem:$0x1C080] =	vst v63  }
0xc0: {  	_ = 	snop  }
0xc1: {  	[tilespmem:s11], [sflag:$0x1] =	stream.indirect_vreg.gather [hbm4b:s3+s2], $0x80, v3, vm0, $0xb8;
	[tilespmem:$0x1C080] =	vst v63  }
0xc2: {  	_ = 	snop  }
0xc3: {  	[tilespmem:s12], [sflag:$0x1] =	stream.indirect_vreg.gather [hbm4b:s4+s2], $0x80, v3, vm0, $0xb8;
	[tilespmem:$0x1C080] =	vst v63  }
0xc4: {  	_ = 	snop  }
0xc5: {  	[tilespmem:s13], [sflag:$0x1] =	stream.indirect_vreg.gather [hbm4b:s5+s2], $0x80, v3, vm0, $0xb8;
	[tilespmem:$0x1C080] =	vst v63  }
0xc6: {  	_ = 	snop  }
0xc7: {  	[tilespmem:s14], [sflag:$0x1] =	stream.indirect_vreg.gather [hbm4b:s6+s2], $0x80, v3, vm1, $0xb8;
	[tilespmem:$0x1C080] =	vst v63  }
0xc8: {  	v3 =	vld [tilespmem:$0x60];
	_ =	sdelay $0x4  }
0xc9: {  	v62 =	vshrl.u32 v3, $0x3  }
0xca: {  	v4 =	vmul.u32 $0x38, v62  }
0xcb: {  	v3 =	vand.u32 $0x7, v3  }
0xcc: {  	v3 =	vor.u32 v3, v4  }
0xcd: {  	v4 =	vperm.xlane v3, v0;
	_ =	sdelay $0x1  }
0xce: {  	v4 =	vadd.s32 v1, v4;
	_ =	sdelay $0x4  }
0xcf: {  	[tilespmem:s15], [sflag:$0x1] =	stream.indirect_vreg.gather [hbm4b:s3+s2], $0x80, v4, vm0, $0xb8;
	[tilespmem:$0x1C080] =	vst v63  }
0xd0: {  	v3 =	vperm.xlane v3, v2  }
0xd1: {  	[tilespmem:s16], [sflag:$0x1] =	stream.indirect_vreg.gather [hbm4b:s4+s2], $0x80, v4, vm0, $0xb8;
	[tilespmem:$0x1C080] =	vst v63  }
0xd2: {  	v3 =	vadd.s32 v1, v3  }
0xd3: {  	[tilespmem:s17], [sflag:$0x1] =	stream.indirect_vreg.gather [hbm4b:s5+s2], $0x80, v4, vm0, $0xb8;
	[tilespmem:$0x1C080] =	vst v63  }
0xd4: {  	_ = 	snop  }
0xd5: {  	[tilespmem:s18], [sflag:$0x1] =	stream.indirect_vreg.gather [hbm4b:s6+s2], $0x80, v4, vm1, $0xb8;
	[tilespmem:$0x1C080] =	vst v63  }
0xd6: {  	_ = 	snop  }
0xd7: {  	[tilespmem:s19], [sflag:$0x1] =	stream.indirect_vreg.gather [hbm4b:s3+s2], $0x80, v3, vm0, $0xb8;
	[tilespmem:$0x1C080] =	vst v63  }
0xd8: {  	_ = 	snop  }
0xd9: {  	[tilespmem:s20], [sflag:$0x1] =	stream.indirect_vreg.gather [hbm4b:s4+s2], $0x80, v3, vm0, $0xb8;
	[tilespmem:$0x1C080] =	vst v63  }
0xda: {  	_ = 	snop  }
0xdb: {  	[tilespmem:s21], [sflag:$0x1] =	stream.indirect_vreg.gather [hbm4b:s5+s2], $0x80, v3, vm0, $0xb8;
	[tilespmem:$0x1C080] =	vst v63  }
0xdc: {  	_ = 	snop  }
0xdd: {  	[tilespmem:s22], [sflag:$0x1] =	stream.indirect_vreg.gather [hbm4b:s6+s2], $0x80, v3, vm1, $0xb8;
	[tilespmem:$0x1C080] =	vst v63  }
0xde: {  	v3 =	vld [tilespmem:$0x70];
	_ =	sdelay $0x4  }
0xdf: {  	v63 =	vshrl.u32 v3, $0x3  }
0xe0: {  	v4 =	vmul.u32 $0x38, v63  }
0xe1: {  	v3 =	vand.u32 $0x7, v3  }
0xe2: {  	v3 =	vor.u32 v3, v4  }
0xe3: {  	v4 =	vperm.xlane v3, v0;
	_ =	sdelay $0x1  }
0xe4: {  	v4 =	vadd.s32 v1, v4;
	_ =	sdelay $0x4  }
0xe5: {  	[tilespmem:s23], [sflag:$0x1] =	stream.indirect_vreg.gather [hbm4b:s3+s2], $0x80, v4, vm0, $0xb8;
	[tilespmem:$0x1C080] =	vst v63  }
0xe6: {  	v3 =	vperm.xlane v3, v2  }
0xe7: {  	[tilespmem:s24], [sflag:$0x1] =	stream.indirect_vreg.gather [hbm4b:s4+s2], $0x80, v4, vm0, $0xb8;
	[tilespmem:$0x1C080] =	vst v63  }
0xe8: {  	v3 =	vadd.s32 v1, v3  }
0xe9: {  	[tilespmem:s25], [sflag:$0x1] =	stream.indirect_vreg.gather [hbm4b:s5+s2], $0x80, v4, vm0, $0xb8;
	[tilespmem:$0x1C080] =	vst v63  }
0xea: {  	_ = 	snop  }
0xeb: {  	[tilespmem:s26], [sflag:$0x1] =	stream.indirect_vreg.gather [hbm4b:s6+s2], $0x80, v4, vm1, $0xb8;
	[tilespmem:$0x1C080] =	vst v63  }
0xec: {  	_ = 	snop  }
0xed: {  	[tilespmem:s28], [sflag:$0x1] =	stream.indirect_vreg.gather [hbm4b:s3+s2], $0x80, v3, vm0, $0xb8;
	[tilespmem:$0x1C080] =	vst v63  }
0xee: {  	_ = 	snop  }
0xef: {  	[tilespmem:s29], [sflag:$0x1] =	stream.indirect_vreg.gather [hbm4b:s4+s2], $0x80, v3, vm0, $0xb8;
	[tilespmem:$0x1C080] =	vst v63  }
0xf0: {  	_ = 	snop  }
0xf1: {  	[tilespmem:s30], [sflag:$0x1] =	stream.indirect_vreg.gather [hbm4b:s5+s2], $0x80, v3, vm0, $0xb8;
	[tilespmem:$0x1C080] =	vst v63  }
0xf2: {  	_ = 	snop  }
0xf3: {  	[tilespmem:s31], [sflag:$0x1] =	stream.indirect_vreg.gather [hbm4b:s6+s2], $0x80, v3, vm1, $0xb8;
	[tilespmem:$0x1C080] =	vst v63  }
0xf4: {  	_ =	swait.ge [sflag:s1], $0x1C000  }
0xf5: {  	p0 =	sne.s32 s7, $0x1;
	[sflag:s1] =	ssyncset.done $0x0  }
.Ltmp0:
0xf6: {  	s10 =	rddreg [dreg:$0x4];
	[sflag:s1] =	ssyncadd.s32 $0xFFFE4000;
	(pc) =	sbr.rel @p0 .LBB2_1-.Ltmp0, $4  }
0xf7: {  	[hbm4b:s10+s2] =	stream.linear.scatter [tilespmem:s9], [sflag:$0x2], $0x1C000, $0x38;
	[tilespmem:$0x1C080] =	vst v63  }
0xf8: {  	_ =	swait.ge [sflag:s8], $0x1C000  }
0xf9: {  	[sflag:s8] =	ssyncset.done $0x0  }
0xfa: {  	s7 =	sadd.s32 $0xFFFFFFFF, s7;
	[sflag:s8] =	ssyncadd.s32 $0xFFFE4000  }
0xfb: {  	_ =	sfence.sel $0x180000  }
0xfc: {  	[bflag:$0x0] =	sbarrier.arrive $0xFFFF  }
0xfd: {  	_ =	strace $0x90000047  }
0xfe: {  	s0 =	stileid.u32;
	[bflag:$0x2] =	sbarrier.arrive $0xFFFF  }
0xff: {  	p0 =	sne.s32 s0, $0x0;
	s0 =	rddreg [dreg:$0x2]  }
0x100: {  	s0 =	sadd.s32 @!p0 $0x100000, s0  }
0x101: {  	[sflag:s0] =	ssyncadd.tile.s32 @!p0 $0x1;
	_ =	shalt  }
.Lfunc_end2:
_tile_overlayer_lowered:
.L_overlay_start_2:
0x102: {  	(tag) =	ssettag $0x2  }
0x103: {  	s0 =	rddreg [dreg:$0x0];
	s2 =	stileid.u32  }
0x104: {  	s1 =	rddreg [dreg:$0x1];
	p0 =	sne.s32 s2, $0x0  }
0x105: {  	s3 =	rddreg [dreg:$0x2];
	[bflag:$0x3] =	sbarrier.arrive $0xFFFF;
	s2 =	simm.s32 @!p0 $0x1C02  }
0x106: {  	[timem:s3], [sflag:s2] =	dma.local @!p0 [hbm:s0], s1  }
0x107: {  	s0 =	simm.s32 @!p0 $0x2  }
0x108: {  	_ =	swait.ge @!p0 [sflag:s0], s1  }
0x109: {  	s1 =	ssub.s32 @!p0 $0x0, s1;
	[sflag:s0] =	ssyncset.done @!p0 $0x0  }
0x10a: {  	[sflag:s0] =	ssyncadd.s32 @!p0 s1  }
0x10b: {  	[bflag:$0x3] =	sbarrier.arrive $0xFFFF  }
0x10c: {  	_ =	shalt  }

</sc_bundles>
